<compile_context>
chip_gen: v7x
topology: tpu7x:2x2x1
jax: 0.10.2.dev20260603
libtpu: 0.0.44.dev20260713+nightly
codegen_flags: <defaults>
</compile_context>

<pallas_src>
import functools

import jax
import jax.numpy as jnp
from jax import lax
from jax.experimental import pallas as pl
from jax.experimental.pallas import tpu as pltpu
from jax.experimental.pallas import tpu_sc as plsc

B = 16384
VOCAB = 1000
EMB = 16
ND = 13

NC = 2
NS = 16
NW = NC * NS
BPW = B // NW
CH = 128
NCH = BPW // CH

_mesh = plsc.VectorSubcoreMesh(core_axis_name="c", subcore_axis_name="s")


@functools.partial(
    pl.kernel,
    mesh=_mesh,
    compiler_params=pltpu.CompilerParams(use_tc_tiling_on_sc=False),
    out_type=(
        jax.ShapeDtypeStruct((B, EMB), jnp.float32),
        jax.ShapeDtypeStruct((B, EMB), jnp.float32),
    ),
    scratch_types=[
        pltpu.VMEM((NCH, CH), jnp.int32),
        pltpu.VMEM((NCH, CH), jnp.int32),
        pltpu.VMEM((BPW, EMB), jnp.float32),
        pltpu.VMEM((BPW, EMB), jnp.float32),
        pltpu.SemaphoreType.DMA,
        pltpu.SemaphoreType.DMA,
    ],
)
def _sc_gather(emb1_hbm, emb2_hbm, c1_hbm, c2_hbm, o1_hbm, o2_hbm,
               idx1, idx2, r1, r2, sem1, sem2):
    wid = lax.axis_index("s") * NC + lax.axis_index("c")
    base = wid * BPW
    i1cp = pltpu.async_copy(c1_hbm.at[wid], idx1, sem1)
    i2cp = pltpu.async_copy(c2_hbm.at[wid], idx2, sem2)
    i1cp.wait()
    i2cp.wait()
    cps = []
    for k in range(NCH):
        cps.append(pltpu.async_copy(
            emb1_hbm.at[idx1.at[k]], r1.at[pl.ds(k * CH, CH)], sem1))
        cps.append(pltpu.async_copy(
            emb2_hbm.at[idx2.at[k]], r2.at[pl.ds(k * CH, CH)], sem2))
    for cp in cps:
        cp.wait()
    o1cp = pltpu.async_copy(r1, o1_hbm.at[pl.ds(base, BPW)], sem1)
    o2cp = pltpu.async_copy(r2, o2_hbm.at[pl.ds(base, BPW)], sem2)
    o1cp.wait()
    o2cp.wait()


def _mlp_body(i1_ref, e1_ref, e2_ref, w1_ref, b1_ref, w2_ref, b2_ref, o_ref):
    w1 = w1_ref[...]
    h = jnp.dot(i1_ref[...], w1[:ND, :], preferred_element_type=jnp.float32)
    h = h + jnp.dot(e1_ref[...], w1[ND:ND + EMB, :],
                    preferred_element_type=jnp.float32)
    h = h + jnp.dot(e2_ref[...], w1[ND + EMB:, :],
                    preferred_element_type=jnp.float32)
    h = jnp.maximum(h + b1_ref[...], 0.0)
    o_ref[...] = jnp.sum(h * w2_ref[...], axis=1, keepdims=True) + b2_ref[...]


BLK = 2048


def _mlp_call(I1, e1g, e2g, W1, b1r, W2r, b2r):
    grid = (B // BLK,)
    return pl.pallas_call(
        _mlp_body,
        grid=grid,
        in_specs=[
            pl.BlockSpec((BLK, ND), lambda i: (i, 0)),
            pl.BlockSpec((BLK, EMB), lambda i: (i, 0)),
            pl.BlockSpec((BLK, EMB), lambda i: (i, 0)),
            pl.BlockSpec((ND + 2 * EMB, 16), lambda i: (0, 0)),
            pl.BlockSpec((1, 16), lambda i: (0, 0)),
            pl.BlockSpec((1, 16), lambda i: (0, 0)),
            pl.BlockSpec((1, 1), lambda i: (0, 0)),
        ],
        out_specs=pl.BlockSpec((BLK, 1), lambda i: (i, 0)),
        out_shape=jax.ShapeDtypeStruct((B, 1), jnp.float32),
    )(I1, e1g, e2g, W1, b1r, W2r, b2r)


def kernel(I1, C1, C2, emb1, emb2, W1, b1, W2, b2):
    c1 = C1.astype(jnp.int32).reshape(NW, NCH, CH)
    c2 = C2.astype(jnp.int32).reshape(NW, NCH, CH)
    e1g, e2g = _sc_gather(emb1, emb2, c1, c2)
    return _mlp_call(I1, e1g, e2g, W1,
                     b1.reshape(1, EMB), W2.reshape(1, EMB), b2.reshape(1, 1))

# --- scband reference (transcript-rebuilt; emitter-appended) ---
"""Pipeline reference for scband-dnn-83494164234748 (READ-ONLY COPY).

The authoritative reference and input builder live on the scoring server;
editing this copy changes nothing except your own understanding.
"""

import jax, jax.numpy as jnp
import numpy as np

B = 16384
VOCAB = 1000
EMB = 16
N_DENSE = 13


def setup_inputs(seed: int = 0) -> dict:
    key = jax.random.key(seed)
    ks = jax.random.split(key, 8)
    I1 = jax.random.normal(ks[0], (B, N_DENSE), dtype=jnp.float32)
    C1 = jax.random.randint(ks[1], (B, 1), 0, VOCAB, dtype=jnp.int64)
    C2 = jax.random.randint(ks[2], (B, 1), 0, VOCAB, dtype=jnp.int64)
    emb1 = jax.random.normal(ks[3], (VOCAB, EMB), dtype=jnp.float32) * 0.05
    emb2 = jax.random.normal(ks[4], (VOCAB, EMB), dtype=jnp.float32) * 0.05
    W1 = jax.random.normal(ks[5], (N_DENSE + 2 * EMB, 16), dtype=jnp.float32) * 0.05
    b1 = jnp.zeros((16,), dtype=jnp.float32)
    W2 = jax.random.normal(ks[6], (16, 1), dtype=jnp.float32) * 0.05
    b2 = jnp.zeros((1,), dtype=jnp.float32)
    return {"I1": I1, "C1": C1, "C2": C2, "emb1": emb1, "emb2": emb2,
            "W1": W1, "b1": b1, "W2": W2, "b2": b2}


def reference(I1, C1, C2, emb1, emb2, W1, b1, W2, b2):
    # Embedding(1000, 16)(c1) -> [B, 1, 16]; squeeze axis=1 -> [B, 16]
    e1 = jnp.squeeze(jnp.take(emb1, C1, axis=0), axis=1)
    e2 = jnp.squeeze(jnp.take(emb2, C2, axis=0), axis=1)
    # Concatenate dense features with embedding outputs
    x = jnp.concatenate([I1, e1, e2], axis=1)
    # Dense(16, relu)
    h = jax.nn.relu(jnp.dot(x, W1) + b1)
    # Dense(1, use_bias=True)
    out = jnp.dot(h, W2) + b2
    return out

if __name__ == "__main__":
    import jax
    _d = setup_inputs()
    print(jax.jit(kernel)(*tuple(_d.values())))

</pallas_src>

<mosaic_0001>
#map = affine_map<(d0, d1) -> (0, 0)>
#map1 = affine_map<(d0, d1) -> (0, 0, 0)>
module attributes {stable_mosaic.version = 14 : i64} {
  func.func @_sc_gather(%arg0: i32, %arg1: i32, %arg2: memref<1000x16xf32, #tpu.memory_space<hbm>>, %arg3: memref<1000x16xf32, #tpu.memory_space<hbm>>, %arg4: memref<32x4x128xi32, #tpu.memory_space<hbm>>, %arg5: memref<32x4x128xi32, #tpu.memory_space<hbm>>, %arg6: memref<16384x16xf32, #tpu.memory_space<hbm>>, %arg7: memref<16384x16xf32, #tpu.memory_space<hbm>>, %arg8: memref<4x128xi32, #tpu.memory_space<vmem>>, %arg9: memref<4x128xi32, #tpu.memory_space<vmem>>, %arg10: memref<512x16xf32, #tpu.memory_space<vmem>>, %arg11: memref<512x16xf32, #tpu.memory_space<vmem>>, %arg12: memref<!tpu.dma_semaphore, #tpu.memory_space<semaphore_mem>>, %arg13: memref<!tpu.dma_semaphore, #tpu.memory_space<semaphore_mem>>) attributes {dimension_semantics = [#tpu.dimension_semantics<core_parallel>, #tpu.dimension_semantics<subcore_parallel>], iteration_bounds = array<i64: 2, 16>, scalar_prefetch = 0 : i64, scratch_operands = 6 : i64, tpu.core_type = #tpu.core_type<sc_vector_subcore>, window_params = [{transform_indices = #map}, {transform_indices = #map}, {transform_indices = #map1}, {transform_indices = #map1}, {transform_indices = #map}, {transform_indices = #map}]} {
    %mul3A = arith.constant 2 : i32
    %mul3A_0 = arith.muli %arg1, %mul3A : i32
    %add3A = arith.addi %mul3A_0, %arg0 : i32
    %mul3A_1 = arith.constant 512 : i32
    %mul3A_2 = arith.muli %add3A, %mul3A_1 : i32
    %dma_start3A = arith.constant 0 : i32
    %dma_start3A_3 = arith.constant 0 : i32
    %dma_start3A_4 = tpu.memref_slice %arg4[%add3A, %dma_start3A, %dma_start3A_3] : memref<32x4x128xi32, #tpu.memory_space<hbm>> -> memref<1x4x128xi32, #tpu.memory_space<hbm>>
    %dma_start3A_5 = tpu.memref_squeeze %dma_start3A_4 : memref<1x4x128xi32, #tpu.memory_space<hbm>> -> memref<4x128xi32, #tpu.memory_space<hbm>>
    %dma_start3A_6 = arith.constant 0 : i32
    %dma_start3A_7 = arith.constant 0 : i32
    %dma_start3A_8 = tpu.memref_slice %arg4[%add3A, %dma_start3A_6, %dma_start3A_7] : memref<32x4x128xi32, #tpu.memory_space<hbm>> -> memref<1x4x128xi32, #tpu.memory_space<hbm>>
    %dma_start3A_9 = tpu.memref_squeeze %dma_start3A_8 : memref<1x4x128xi32, #tpu.memory_space<hbm>> -> memref<4x128xi32, #tpu.memory_space<hbm>>
    tpu.enqueue_dma source(%dma_start3A_9 : memref<4x128xi32, #tpu.memory_space<hbm>>) target(%arg8 : memref<4x128xi32, #tpu.memory_space<vmem>>) target_semaphore(%arg12 : memref<!tpu.dma_semaphore, #tpu.memory_space<semaphore_mem>>)
    %dma_start3A_10 = arith.constant 0 : i32
    %dma_start3A_11 = arith.constant 0 : i32
    %dma_start3A_12 = tpu.memref_slice %arg5[%add3A, %dma_start3A_10, %dma_start3A_11] : memref<32x4x128xi32, #tpu.memory_space<hbm>> -> memref<1x4x128xi32, #tpu.memory_space<hbm>>
    %dma_start3A_13 = tpu.memref_squeeze %dma_start3A_12 : memref<1x4x128xi32, #tpu.memory_space<hbm>> -> memref<4x128xi32, #tpu.memory_space<hbm>>
    %dma_start3A_14 = arith.constant 0 : i32
    %dma_start3A_15 = arith.constant 0 : i32
    %dma_start3A_16 = tpu.memref_slice %arg5[%add3A, %dma_start3A_14, %dma_start3A_15] : memref<32x4x128xi32, #tpu.memory_space<hbm>> -> memref<1x4x128xi32, #tpu.memory_space<hbm>>
    %dma_start3A_17 = tpu.memref_squeeze %dma_start3A_16 : memref<1x4x128xi32, #tpu.memory_space<hbm>> -> memref<4x128xi32, #tpu.memory_space<hbm>>
    tpu.enqueue_dma source(%dma_start3A_17 : memref<4x128xi32, #tpu.memory_space<hbm>>) target(%arg9 : memref<4x128xi32, #tpu.memory_space<vmem>>) target_semaphore(%arg13 : memref<!tpu.dma_semaphore, #tpu.memory_space<semaphore_mem>>)
    %dma_wait3A = arith.constant 0 : i32
    %dma_wait3A_18 = arith.constant 0 : i32
    %dma_wait3A_19 = tpu.memref_slice %arg4[%add3A, %dma_wait3A, %dma_wait3A_18] : memref<32x4x128xi32, #tpu.memory_space<hbm>> -> memref<1x4x128xi32, #tpu.memory_space<hbm>>
    %dma_wait3A_20 = tpu.memref_squeeze %dma_wait3A_19 : memref<1x4x128xi32, #tpu.memory_space<hbm>> -> memref<4x128xi32, #tpu.memory_space<hbm>>
    %dma_wait3A_21 = arith.constant 0 : i32
    %dma_wait3A_22 = arith.constant 0 : i32
    %dma_wait3A_23 = tpu.memref_slice %arg4[%add3A, %dma_wait3A_21, %dma_wait3A_22] : memref<32x4x128xi32, #tpu.memory_space<hbm>> -> memref<1x4x128xi32, #tpu.memory_space<hbm>>
    %dma_wait3A_24 = tpu.memref_squeeze %dma_wait3A_23 : memref<1x4x128xi32, #tpu.memory_space<hbm>> -> memref<4x128xi32, #tpu.memory_space<hbm>>
    tpu.wait_dma2 semaphore(%arg12 : memref<!tpu.dma_semaphore, #tpu.memory_space<semaphore_mem>>) src(%dma_wait3A_24 : memref<4x128xi32, #tpu.memory_space<hbm>>) dst(%arg8 : memref<4x128xi32, #tpu.memory_space<vmem>>)
    %dma_wait3A_25 = arith.constant 0 : i32
    %dma_wait3A_26 = arith.constant 0 : i32
    %dma_wait3A_27 = tpu.memref_slice %arg5[%add3A, %dma_wait3A_25, %dma_wait3A_26] : memref<32x4x128xi32, #tpu.memory_space<hbm>> -> memref<1x4x128xi32, #tpu.memory_space<hbm>>
    %dma_wait3A_28 = tpu.memref_squeeze %dma_wait3A_27 : memref<1x4x128xi32, #tpu.memory_space<hbm>> -> memref<4x128xi32, #tpu.memory_space<hbm>>
    %dma_wait3A_29 = arith.constant 0 : i32
    %dma_wait3A_30 = arith.constant 0 : i32
    %dma_wait3A_31 = tpu.memref_slice %arg5[%add3A, %dma_wait3A_29, %dma_wait3A_30] : memref<32x4x128xi32, #tpu.memory_space<hbm>> -> memref<1x4x128xi32, #tpu.memory_space<hbm>>
    %dma_wait3A_32 = tpu.memref_squeeze %dma_wait3A_31 : memref<1x4x128xi32, #tpu.memory_space<hbm>> -> memref<4x128xi32, #tpu.memory_space<hbm>>
    tpu.wait_dma2 semaphore(%arg13 : memref<!tpu.dma_semaphore, #tpu.memory_space<semaphore_mem>>) src(%dma_wait3A_32 : memref<4x128xi32, #tpu.memory_space<hbm>>) dst(%arg9 : memref<4x128xi32, #tpu.memory_space<vmem>>)
    %dma_start3A_33 = arith.constant 0 : i32
    %dma_start3A_34 = arith.constant 0 : i32
    %dma_start3A_35 = arith.constant 0 : i32
    %dma_start3A_36 = tpu.memref_slice %arg10[%dma_start3A_34, %dma_start3A_35] : memref<512x16xf32, #tpu.memory_space<vmem>> -> memref<128x16xf32, #tpu.memory_space<vmem>>
    %dma_start3A_37 = arith.constant 0 : i32
    %dma_start3A_38 = tpu.memref_slice %arg8[%dma_start3A_33, %dma_start3A_37] : memref<4x128xi32, #tpu.memory_space<vmem>> -> memref<1x128xi32, #tpu.memory_space<vmem>>
    %dma_start3A_39 = tpu.memref_squeeze %dma_start3A_38 : memref<1x128xi32, #tpu.memory_space<vmem>> -> memref<128xi32, #tpu.memory_space<vmem>>
    %dma_start3A_40 = arith.constant 0 : i32
    %dma_start3A_41 = arith.constant 0 : i32
    %dma_start3A_42 = tpu.memref_slice %arg2[%dma_start3A_40, %dma_start3A_41] : memref<1000x16xf32, #tpu.memory_space<hbm>> -> memref<1000x16xf32, #tpu.memory_space<hbm>>
    tpu.enqueue_indirect_dma source(%dma_start3A_42 : memref<1000x16xf32, #tpu.memory_space<hbm>>) target(%dma_start3A_36 : memref<128x16xf32, #tpu.memory_space<vmem>>) offsets(%dma_start3A_39 : memref<128xi32, #tpu.memory_space<vmem>>) semaphore(%arg12 : memref<!tpu.dma_semaphore, #tpu.memory_space<semaphore_mem>>)
    %dma_start3A_43 = arith.constant 0 : i32
    %dma_start3A_44 = arith.constant 0 : i32
    %dma_start3A_45 = arith.constant 0 : i32
    %dma_start3A_46 = tpu.memref_slice %arg11[%dma_start3A_44, %dma_start3A_45] : memref<512x16xf32, #tpu.memory_space<vmem>> -> memref<128x16xf32, #tpu.memory_space<vmem>>
    %dma_start3A_47 = arith.constant 0 : i32
    %dma_start3A_48 = tpu.memref_slice %arg9[%dma_start3A_43, %dma_start3A_47] : memref<4x128xi32, #tpu.memory_space<vmem>> -> memref<1x128xi32, #tpu.memory_space<vmem>>
    %dma_start3A_49 = tpu.memref_squeeze %dma_start3A_48 : memref<1x128xi32, #tpu.memory_space<vmem>> -> memref<128xi32, #tpu.memory_space<vmem>>
    %dma_start3A_50 = arith.constant 0 : i32
    %dma_start3A_51 = arith.constant 0 : i32
    %dma_start3A_52 = tpu.memref_slice %arg3[%dma_start3A_50, %dma_start3A_51] : memref<1000x16xf32, #tpu.memory_space<hbm>> -> memref<1000x16xf32, #tpu.memory_space<hbm>>
    tpu.enqueue_indirect_dma source(%dma_start3A_52 : memref<1000x16xf32, #tpu.memory_space<hbm>>) target(%dma_start3A_46 : memref<128x16xf32, #tpu.memory_space<vmem>>) offsets(%dma_start3A_49 : memref<128xi32, #tpu.memory_space<vmem>>) semaphore(%arg13 : memref<!tpu.dma_semaphore, #tpu.memory_space<semaphore_mem>>)
    %dma_start3A_53 = arith.constant 1 : i32
    %dma_start3A_54 = arith.constant 128 : i32
    %dma_start3A_55 = arith.constant 0 : i32
    %dma_start3A_56 = tpu.memref_slice %arg10[%dma_start3A_54, %dma_start3A_55] : memref<512x16xf32, #tpu.memory_space<vmem>> -> memref<128x16xf32, #tpu.memory_space<vmem>>
    %dma_start3A_57 = arith.constant 0 : i32
    %dma_start3A_58 = tpu.memref_slice %arg8[%dma_start3A_53, %dma_start3A_57] : memref<4x128xi32, #tpu.memory_space<vmem>> -> memref<1x128xi32, #tpu.memory_space<vmem>>
    %dma_start3A_59 = tpu.memref_squeeze %dma_start3A_58 : memref<1x128xi32, #tpu.memory_space<vmem>> -> memref<128xi32, #tpu.memory_space<vmem>>
    %dma_start3A_60 = arith.constant 0 : i32
    %dma_start3A_61 = arith.constant 0 : i32
    %dma_start3A_62 = tpu.memref_slice %arg2[%dma_start3A_60, %dma_start3A_61] : memref<1000x16xf32, #tpu.memory_space<hbm>> -> memref<1000x16xf32, #tpu.memory_space<hbm>>
    tpu.enqueue_indirect_dma source(%dma_start3A_62 : memref<1000x16xf32, #tpu.memory_space<hbm>>) target(%dma_start3A_56 : memref<128x16xf32, #tpu.memory_space<vmem>>) offsets(%dma_start3A_59 : memref<128xi32, #tpu.memory_space<vmem>>) semaphore(%arg12 : memref<!tpu.dma_semaphore, #tpu.memory_space<semaphore_mem>>)
    %dma_start3A_63 = arith.constant 1 : i32
    %dma_start3A_64 = arith.constant 128 : i32
    %dma_start3A_65 = arith.constant 0 : i32
    %dma_start3A_66 = tpu.memref_slice %arg11[%dma_start3A_64, %dma_start3A_65] : memref<512x16xf32, #tpu.memory_space<vmem>> -> memref<128x16xf32, #tpu.memory_space<vmem>>
    %dma_start3A_67 = arith.constant 0 : i32
    %dma_start3A_68 = tpu.memref_slice %arg9[%dma_start3A_63, %dma_start3A_67] : memref<4x128xi32, #tpu.memory_space<vmem>> -> memref<1x128xi32, #tpu.memory_space<vmem>>
    %dma_start3A_69 = tpu.memref_squeeze %dma_start3A_68 : memref<1x128xi32, #tpu.memory_space<vmem>> -> memref<128xi32, #tpu.memory_space<vmem>>
    %dma_start3A_70 = arith.constant 0 : i32
    %dma_start3A_71 = arith.constant 0 : i32
    %dma_start3A_72 = tpu.memref_slice %arg3[%dma_start3A_70, %dma_start3A_71] : memref<1000x16xf32, #tpu.memory_space<hbm>> -> memref<1000x16xf32, #tpu.memory_space<hbm>>
    tpu.enqueue_indirect_dma source(%dma_start3A_72 : memref<1000x16xf32, #tpu.memory_space<hbm>>) target(%dma_start3A_66 : memref<128x16xf32, #tpu.memory_space<vmem>>) offsets(%dma_start3A_69 : memref<128xi32, #tpu.memory_space<vmem>>) semaphore(%arg13 : memref<!tpu.dma_semaphore, #tpu.memory_space<semaphore_mem>>)
    %dma_start3A_73 = arith.constant 2 : i32
    %dma_start3A_74 = arith.constant 256 : i32
    %dma_start3A_75 = arith.constant 0 : i32
    %dma_start3A_76 = tpu.memref_slice %arg10[%dma_start3A_74, %dma_start3A_75] : memref<512x16xf32, #tpu.memory_space<vmem>> -> memref<128x16xf32, #tpu.memory_space<vmem>>
    %dma_start3A_77 = arith.constant 0 : i32
    %dma_start3A_78 = tpu.memref_slice %arg8[%dma_start3A_73, %dma_start3A_77] : memref<4x128xi32, #tpu.memory_space<vmem>> -> memref<1x128xi32, #tpu.memory_space<vmem>>
    %dma_start3A_79 = tpu.memref_squeeze %dma_start3A_78 : memref<1x128xi32, #tpu.memory_space<vmem>> -> memref<128xi32, #tpu.memory_space<vmem>>
    %dma_start3A_80 = arith.constant 0 : i32
    %dma_start3A_81 = arith.constant 0 : i32
    %dma_start3A_82 = tpu.memref_slice %arg2[%dma_start3A_80, %dma_start3A_81] : memref<1000x16xf32, #tpu.memory_space<hbm>> -> memref<1000x16xf32, #tpu.memory_space<hbm>>
    tpu.enqueue_indirect_dma source(%dma_start3A_82 : memref<1000x16xf32, #tpu.memory_space<hbm>>) target(%dma_start3A_76 : memref<128x16xf32, #tpu.memory_space<vmem>>) offsets(%dma_start3A_79 : memref<128xi32, #tpu.memory_space<vmem>>) semaphore(%arg12 : memref<!tpu.dma_semaphore, #tpu.memory_space<semaphore_mem>>)
    %dma_start3A_83 = arith.constant 2 : i32
    %dma_start3A_84 = arith.constant 256 : i32
    %dma_start3A_85 = arith.constant 0 : i32
    %dma_start3A_86 = tpu.memref_slice %arg11[%dma_start3A_84, %dma_start3A_85] : memref<512x16xf32, #tpu.memory_space<vmem>> -> memref<128x16xf32, #tpu.memory_space<vmem>>
    %dma_start3A_87 = arith.constant 0 : i32
    %dma_start3A_88 = tpu.memref_slice %arg9[%dma_start3A_83, %dma_start3A_87] : memref<4x128xi32, #tpu.memory_space<vmem>> -> memref<1x128xi32, #tpu.memory_space<vmem>>
    %dma_start3A_89 = tpu.memref_squeeze %dma_start3A_88 : memref<1x128xi32, #tpu.memory_space<vmem>> -> memref<128xi32, #tpu.memory_space<vmem>>
    %dma_start3A_90 = arith.constant 0 : i32
    %dma_start3A_91 = arith.constant 0 : i32
    %dma_start3A_92 = tpu.memref_slice %arg3[%dma_start3A_90, %dma_start3A_91] : memref<1000x16xf32, #tpu.memory_space<hbm>> -> memref<1000x16xf32, #tpu.memory_space<hbm>>
    tpu.enqueue_indirect_dma source(%dma_start3A_92 : memref<1000x16xf32, #tpu.memory_space<hbm>>) target(%dma_start3A_86 : memref<128x16xf32, #tpu.memory_space<vmem>>) offsets(%dma_start3A_89 : memref<128xi32, #tpu.memory_space<vmem>>) semaphore(%arg13 : memref<!tpu.dma_semaphore, #tpu.memory_space<semaphore_mem>>)
    %dma_start3A_93 = arith.constant 3 : i32
    %dma_start3A_94 = arith.constant 384 : i32
    %dma_start3A_95 = arith.constant 0 : i32
    %dma_start3A_96 = tpu.memref_slice %arg10[%dma_start3A_94, %dma_start3A_95] : memref<512x16xf32, #tpu.memory_space<vmem>> -> memref<128x16xf32, #tpu.memory_space<vmem>>
    %dma_start3A_97 = arith.constant 0 : i32
    %dma_start3A_98 = tpu.memref_slice %arg8[%dma_start3A_93, %dma_start3A_97] : memref<4x128xi32, #tpu.memory_space<vmem>> -> memref<1x128xi32, #tpu.memory_space<vmem>>
    %dma_start3A_99 = tpu.memref_squeeze %dma_start3A_98 : memref<1x128xi32, #tpu.memory_space<vmem>> -> memref<128xi32, #tpu.memory_space<vmem>>
    %dma_start3A_100 = arith.constant 0 : i32
    %dma_start3A_101 = arith.constant 0 : i32
    %dma_start3A_102 = tpu.memref_slice %arg2[%dma_start3A_100, %dma_start3A_101] : memref<1000x16xf32, #tpu.memory_space<hbm>> -> memref<1000x16xf32, #tpu.memory_space<hbm>>
    tpu.enqueue_indirect_dma source(%dma_start3A_102 : memref<1000x16xf32, #tpu.memory_space<hbm>>) target(%dma_start3A_96 : memref<128x16xf32, #tpu.memory_space<vmem>>) offsets(%dma_start3A_99 : memref<128xi32, #tpu.memory_space<vmem>>) semaphore(%arg12 : memref<!tpu.dma_semaphore, #tpu.memory_space<semaphore_mem>>)
    %dma_start3A_103 = arith.constant 3 : i32
    %dma_start3A_104 = arith.constant 384 : i32
    %dma_start3A_105 = arith.constant 0 : i32
    %dma_start3A_106 = tpu.memref_slice %arg11[%dma_start3A_104, %dma_start3A_105] : memref<512x16xf32, #tpu.memory_space<vmem>> -> memref<128x16xf32, #tpu.memory_space<vmem>>
    %dma_start3A_107 = arith.constant 0 : i32
    %dma_start3A_108 = tpu.memref_slice %arg9[%dma_start3A_103, %dma_start3A_107] : memref<4x128xi32, #tpu.memory_space<vmem>> -> memref<1x128xi32, #tpu.memory_space<vmem>>
    %dma_start3A_109 = tpu.memref_squeeze %dma_start3A_108 : memref<1x128xi32, #tpu.memory_space<vmem>> -> memref<128xi32, #tpu.memory_space<vmem>>
    %dma_start3A_110 = arith.constant 0 : i32
    %dma_start3A_111 = arith.constant 0 : i32
    %dma_start3A_112 = tpu.memref_slice %arg3[%dma_start3A_110, %dma_start3A_111] : memref<1000x16xf32, #tpu.memory_space<hbm>> -> memref<1000x16xf32, #tpu.memory_space<hbm>>
    tpu.enqueue_indirect_dma source(%dma_start3A_112 : memref<1000x16xf32, #tpu.memory_space<hbm>>) target(%dma_start3A_106 : memref<128x16xf32, #tpu.memory_space<vmem>>) offsets(%dma_start3A_109 : memref<128xi32, #tpu.memory_space<vmem>>) semaphore(%arg13 : memref<!tpu.dma_semaphore, #tpu.memory_space<semaphore_mem>>)
    %dma_wait3A_113 = arith.constant 0 : i32
    %dma_wait3A_114 = arith.constant 0 : i32
    %dma_wait3A_115 = arith.constant 0 : i32
    %dma_wait3A_116 = tpu.memref_slice %arg10[%dma_wait3A_114, %dma_wait3A_115] : memref<512x16xf32, #tpu.memory_space<vmem>> -> memref<128x16xf32, #tpu.memory_space<vmem>>
    %dma_wait3A_117 = arith.constant 0 : i32
    %dma_wait3A_118 = tpu.memref_slice %arg8[%dma_wait3A_113, %dma_wait3A_117] : memref<4x128xi32, #tpu.memory_space<vmem>> -> memref<1x128xi32, #tpu.memory_space<vmem>>
    %dma_wait3A_119 = tpu.memref_squeeze %dma_wait3A_118 : memref<1x128xi32, #tpu.memory_space<vmem>> -> memref<128xi32, #tpu.memory_space<vmem>>
    %dma_wait3A_120 = arith.constant 0 : i32
    %dma_wait3A_121 = arith.constant 0 : i32
    %dma_wait3A_122 = tpu.memref_slice %arg2[%dma_wait3A_120, %dma_wait3A_121] : memref<1000x16xf32, #tpu.memory_space<hbm>> -> memref<1000x16xf32, #tpu.memory_space<hbm>>
    tpu.wait_indirect_dma semaphore(%arg12 : memref<!tpu.dma_semaphore, #tpu.memory_space<semaphore_mem>>) src(%dma_wait3A_122 : memref<1000x16xf32, #tpu.memory_space<hbm>>) dst(%dma_wait3A_116 : memref<128x16xf32, #tpu.memory_space<vmem>>)
    %dma_wait3A_123 = arith.constant 0 : i32
    %dma_wait3A_124 = arith.constant 0 : i32
    %dma_wait3A_125 = arith.constant 0 : i32
    %dma_wait3A_126 = tpu.memref_slice %arg11[%dma_wait3A_124, %dma_wait3A_125] : memref<512x16xf32, #tpu.memory_space<vmem>> -> memref<128x16xf32, #tpu.memory_space<vmem>>
    %dma_wait3A_127 = arith.constant 0 : i32
    %dma_wait3A_128 = tpu.memref_slice %arg9[%dma_wait3A_123, %dma_wait3A_127] : memref<4x128xi32, #tpu.memory_space<vmem>> -> memref<1x128xi32, #tpu.memory_space<vmem>>
    %dma_wait3A_129 = tpu.memref_squeeze %dma_wait3A_128 : memref<1x128xi32, #tpu.memory_space<vmem>> -> memref<128xi32, #tpu.memory_space<vmem>>
    %dma_wait3A_130 = arith.constant 0 : i32
    %dma_wait3A_131 = arith.constant 0 : i32
    %dma_wait3A_132 = tpu.memref_slice %arg3[%dma_wait3A_130, %dma_wait3A_131] : memref<1000x16xf32, #tpu.memory_space<hbm>> -> memref<1000x16xf32, #tpu.memory_space<hbm>>
    tpu.wait_indirect_dma semaphore(%arg13 : memref<!tpu.dma_semaphore, #tpu.memory_space<semaphore_mem>>) src(%dma_wait3A_132 : memref<1000x16xf32, #tpu.memory_space<hbm>>) dst(%dma_wait3A_126 : memref<128x16xf32, #tpu.memory_space<vmem>>)
    %dma_wait3A_133 = arith.constant 1 : i32
    %dma_wait3A_134 = arith.constant 128 : i32
    %dma_wait3A_135 = arith.constant 0 : i32
    %dma_wait3A_136 = tpu.memref_slice %arg10[%dma_wait3A_134, %dma_wait3A_135] : memref<512x16xf32, #tpu.memory_space<vmem>> -> memref<128x16xf32, #tpu.memory_space<vmem>>
    %dma_wait3A_137 = arith.constant 0 : i32
    %dma_wait3A_138 = tpu.memref_slice %arg8[%dma_wait3A_133, %dma_wait3A_137] : memref<4x128xi32, #tpu.memory_space<vmem>> -> memref<1x128xi32, #tpu.memory_space<vmem>>
    %dma_wait3A_139 = tpu.memref_squeeze %dma_wait3A_138 : memref<1x128xi32, #tpu.memory_space<vmem>> -> memref<128xi32, #tpu.memory_space<vmem>>
    %dma_wait3A_140 = arith.constant 0 : i32
    %dma_wait3A_141 = arith.constant 0 : i32
    %dma_wait3A_142 = tpu.memref_slice %arg2[%dma_wait3A_140, %dma_wait3A_141] : memref<1000x16xf32, #tpu.memory_space<hbm>> -> memref<1000x16xf32, #tpu.memory_space<hbm>>
    tpu.wait_indirect_dma semaphore(%arg12 : memref<!tpu.dma_semaphore, #tpu.memory_space<semaphore_mem>>) src(%dma_wait3A_142 : memref<1000x16xf32, #tpu.memory_space<hbm>>) dst(%dma_wait3A_136 : memref<128x16xf32, #tpu.memory_space<vmem>>)
    %dma_wait3A_143 = arith.constant 1 : i32
    %dma_wait3A_144 = arith.constant 128 : i32
    %dma_wait3A_145 = arith.constant 0 : i32
    %dma_wait3A_146 = tpu.memref_slice %arg11[%dma_wait3A_144, %dma_wait3A_145] : memref<512x16xf32, #tpu.memory_space<vmem>> -> memref<128x16xf32, #tpu.memory_space<vmem>>
    %dma_wait3A_147 = arith.constant 0 : i32
    %dma_wait3A_148 = tpu.memref_slice %arg9[%dma_wait3A_143, %dma_wait3A_147] : memref<4x128xi32, #tpu.memory_space<vmem>> -> memref<1x128xi32, #tpu.memory_space<vmem>>
    %dma_wait3A_149 = tpu.memref_squeeze %dma_wait3A_148 : memref<1x128xi32, #tpu.memory_space<vmem>> -> memref<128xi32, #tpu.memory_space<vmem>>
    %dma_wait3A_150 = arith.constant 0 : i32
    %dma_wait3A_151 = arith.constant 0 : i32
    %dma_wait3A_152 = tpu.memref_slice %arg3[%dma_wait3A_150, %dma_wait3A_151] : memref<1000x16xf32, #tpu.memory_space<hbm>> -> memref<1000x16xf32, #tpu.memory_space<hbm>>
    tpu.wait_indirect_dma semaphore(%arg13 : memref<!tpu.dma_semaphore, #tpu.memory_space<semaphore_mem>>) src(%dma_wait3A_152 : memref<1000x16xf32, #tpu.memory_space<hbm>>) dst(%dma_wait3A_146 : memref<128x16xf32, #tpu.memory_space<vmem>>)
    %dma_wait3A_153 = arith.constant 2 : i32
    %dma_wait3A_154 = arith.constant 256 : i32
    %dma_wait3A_155 = arith.constant 0 : i32
    %dma_wait3A_156 = tpu.memref_slice %arg10[%dma_wait3A_154, %dma_wait3A_155] : memref<512x16xf32, #tpu.memory_space<vmem>> -> memref<128x16xf32, #tpu.memory_space<vmem>>
    %dma_wait3A_157 = arith.constant 0 : i32
    %dma_wait3A_158 = tpu.memref_slice %arg8[%dma_wait3A_153, %dma_wait3A_157] : memref<4x128xi32, #tpu.memory_space<vmem>> -> memref<1x128xi32, #tpu.memory_space<vmem>>
    %dma_wait3A_159 = tpu.memref_squeeze %dma_wait3A_158 : memref<1x128xi32, #tpu.memory_space<vmem>> -> memref<128xi32, #tpu.memory_space<vmem>>
    %dma_wait3A_160 = arith.constant 0 : i32
    %dma_wait3A_161 = arith.constant 0 : i32
    %dma_wait3A_162 = tpu.memref_slice %arg2[%dma_wait3A_160, %dma_wait3A_161] : memref<1000x16xf32, #tpu.memory_space<hbm>> -> memref<1000x16xf32, #tpu.memory_space<hbm>>
    tpu.wait_indirect_dma semaphore(%arg12 : memref<!tpu.dma_semaphore, #tpu.memory_space<semaphore_mem>>) src(%dma_wait3A_162 : memref<1000x16xf32, #tpu.memory_space<hbm>>) dst(%dma_wait3A_156 : memref<128x16xf32, #tpu.memory_space<vmem>>)
    %dma_wait3A_163 = arith.constant 2 : i32
    %dma_wait3A_164 = arith.constant 256 : i32
    %dma_wait3A_165 = arith.constant 0 : i32
    %dma_wait3A_166 = tpu.memref_slice %arg11[%dma_wait3A_164, %dma_wait3A_165] : memref<512x16xf32, #tpu.memory_space<vmem>> -> memref<128x16xf32, #tpu.memory_space<vmem>>
    %dma_wait3A_167 = arith.constant 0 : i32
    %dma_wait3A_168 = tpu.memref_slice %arg9[%dma_wait3A_163, %dma_wait3A_167] : memref<4x128xi32, #tpu.memory_space<vmem>> -> memref<1x128xi32, #tpu.memory_space<vmem>>
    %dma_wait3A_169 = tpu.memref_squeeze %dma_wait3A_168 : memref<1x128xi32, #tpu.memory_space<vmem>> -> memref<128xi32, #tpu.memory_space<vmem>>
    %dma_wait3A_170 = arith.constant 0 : i32
    %dma_wait3A_171 = arith.constant 0 : i32
    %dma_wait3A_172 = tpu.memref_slice %arg3[%dma_wait3A_170, %dma_wait3A_171] : memref<1000x16xf32, #tpu.memory_space<hbm>> -> memref<1000x16xf32, #tpu.memory_space<hbm>>
    tpu.wait_indirect_dma semaphore(%arg13 : memref<!tpu.dma_semaphore, #tpu.memory_space<semaphore_mem>>) src(%dma_wait3A_172 : memref<1000x16xf32, #tpu.memory_space<hbm>>) dst(%dma_wait3A_166 : memref<128x16xf32, #tpu.memory_space<vmem>>)
    %dma_wait3A_173 = arith.constant 3 : i32
    %dma_wait3A_174 = arith.constant 384 : i32
    %dma_wait3A_175 = arith.constant 0 : i32
    %dma_wait3A_176 = tpu.memref_slice %arg10[%dma_wait3A_174, %dma_wait3A_175] : memref<512x16xf32, #tpu.memory_space<vmem>> -> memref<128x16xf32, #tpu.memory_space<vmem>>
    %dma_wait3A_177 = arith.constant 0 : i32
    %dma_wait3A_178 = tpu.memref_slice %arg8[%dma_wait3A_173, %dma_wait3A_177] : memref<4x128xi32, #tpu.memory_space<vmem>> -> memref<1x128xi32, #tpu.memory_space<vmem>>
    %dma_wait3A_179 = tpu.memref_squeeze %dma_wait3A_178 : memref<1x128xi32, #tpu.memory_space<vmem>> -> memref<128xi32, #tpu.memory_space<vmem>>
    %dma_wait3A_180 = arith.constant 0 : i32
    %dma_wait3A_181 = arith.constant 0 : i32
    %dma_wait3A_182 = tpu.memref_slice %arg2[%dma_wait3A_180, %dma_wait3A_181] : memref<1000x16xf32, #tpu.memory_space<hbm>> -> memref<1000x16xf32, #tpu.memory_space<hbm>>
    tpu.wait_indirect_dma semaphore(%arg12 : memref<!tpu.dma_semaphore, #tpu.memory_space<semaphore_mem>>) src(%dma_wait3A_182 : memref<1000x16xf32, #tpu.memory_space<hbm>>) dst(%dma_wait3A_176 : memref<128x16xf32, #tpu.memory_space<vmem>>)
    %dma_wait3A_183 = arith.constant 3 : i32
    %dma_wait3A_184 = arith.constant 384 : i32
    %dma_wait3A_185 = arith.constant 0 : i32
    %dma_wait3A_186 = tpu.memref_slice %arg11[%dma_wait3A_184, %dma_wait3A_185] : memref<512x16xf32, #tpu.memory_space<vmem>> -> memref<128x16xf32, #tpu.memory_space<vmem>>
    %dma_wait3A_187 = arith.constant 0 : i32
    %dma_wait3A_188 = tpu.memref_slice %arg9[%dma_wait3A_183, %dma_wait3A_187] : memref<4x128xi32, #tpu.memory_space<vmem>> -> memref<1x128xi32, #tpu.memory_space<vmem>>
    %dma_wait3A_189 = tpu.memref_squeeze %dma_wait3A_188 : memref<1x128xi32, #tpu.memory_space<vmem>> -> memref<128xi32, #tpu.memory_space<vmem>>
    %dma_wait3A_190 = arith.constant 0 : i32
    %dma_wait3A_191 = arith.constant 0 : i32
    %dma_wait3A_192 = tpu.memref_slice %arg3[%dma_wait3A_190, %dma_wait3A_191] : memref<1000x16xf32, #tpu.memory_space<hbm>> -> memref<1000x16xf32, #tpu.memory_space<hbm>>
    tpu.wait_indirect_dma semaphore(%arg13 : memref<!tpu.dma_semaphore, #tpu.memory_space<semaphore_mem>>) src(%dma_wait3A_192 : memref<1000x16xf32, #tpu.memory_space<hbm>>) dst(%dma_wait3A_186 : memref<128x16xf32, #tpu.memory_space<vmem>>)
    %dma_start3A_193 = arith.constant 0 : i32
    %dma_start3A_194 = tpu.memref_slice %arg6[%mul3A_2, %dma_start3A_193] : memref<16384x16xf32, #tpu.memory_space<hbm>> -> memref<512x16xf32, #tpu.memory_space<hbm>>
    %dma_start3A_195 = arith.constant 0 : i32
    %dma_start3A_196 = tpu.memref_slice %arg6[%mul3A_2, %dma_start3A_195] : memref<16384x16xf32, #tpu.memory_space<hbm>> -> memref<512x16xf32, #tpu.memory_space<hbm>>
    tpu.enqueue_dma source(%arg10 : memref<512x16xf32, #tpu.memory_space<vmem>>) target(%dma_start3A_196 : memref<512x16xf32, #tpu.memory_space<hbm>>) target_semaphore(%arg12 : memref<!tpu.dma_semaphore, #tpu.memory_space<semaphore_mem>>)
    %dma_start3A_197 = arith.constant 0 : i32
    %dma_start3A_198 = tpu.memref_slice %arg7[%mul3A_2, %dma_start3A_197] : memref<16384x16xf32, #tpu.memory_space<hbm>> -> memref<512x16xf32, #tpu.memory_space<hbm>>
    %dma_start3A_199 = arith.constant 0 : i32
    %dma_start3A_200 = tpu.memref_slice %arg7[%mul3A_2, %dma_start3A_199] : memref<16384x16xf32, #tpu.memory_space<hbm>> -> memref<512x16xf32, #tpu.memory_space<hbm>>
    tpu.enqueue_dma source(%arg11 : memref<512x16xf32, #tpu.memory_space<vmem>>) target(%dma_start3A_200 : memref<512x16xf32, #tpu.memory_space<hbm>>) target_semaphore(%arg13 : memref<!tpu.dma_semaphore, #tpu.memory_space<semaphore_mem>>)
    %dma_wait3A_201 = arith.constant 0 : i32
    %dma_wait3A_202 = tpu.memref_slice %arg6[%mul3A_2, %dma_wait3A_201] : memref<16384x16xf32, #tpu.memory_space<hbm>> -> memref<512x16xf32, #tpu.memory_space<hbm>>
    %dma_wait3A_203 = arith.constant 0 : i32
    %dma_wait3A_204 = tpu.memref_slice %arg6[%mul3A_2, %dma_wait3A_203] : memref<16384x16xf32, #tpu.memory_space<hbm>> -> memref<512x16xf32, #tpu.memory_space<hbm>>
    tpu.wait_dma2 semaphore(%arg12 : memref<!tpu.dma_semaphore, #tpu.memory_space<semaphore_mem>>) src(%arg10 : memref<512x16xf32, #tpu.memory_space<vmem>>) dst(%dma_wait3A_204 : memref<512x16xf32, #tpu.memory_space<hbm>>)
    %dma_wait3A_205 = arith.constant 0 : i32
    %dma_wait3A_206 = tpu.memref_slice %arg7[%mul3A_2, %dma_wait3A_205] : memref<16384x16xf32, #tpu.memory_space<hbm>> -> memref<512x16xf32, #tpu.memory_space<hbm>>
    %dma_wait3A_207 = arith.constant 0 : i32
    %dma_wait3A_208 = tpu.memref_slice %arg7[%mul3A_2, %dma_wait3A_207] : memref<16384x16xf32, #tpu.memory_space<hbm>> -> memref<512x16xf32, #tpu.memory_space<hbm>>
    tpu.wait_dma2 semaphore(%arg13 : memref<!tpu.dma_semaphore, #tpu.memory_space<semaphore_mem>>) src(%arg11 : memref<512x16xf32, #tpu.memory_space<vmem>>) dst(%dma_wait3A_208 : memref<512x16xf32, #tpu.memory_space<hbm>>)
    return
  }
}

module attributes {stable_mosaic.version = 14 : i64} {
  func.func @_mlp_body(%arg0: i32, %arg1: memref<2048x13xf32, #tpu.memory_space<vmem>>, %arg2: memref<2048x16xf32, #tpu.memory_space<vmem>>, %arg3: memref<2048x16xf32, #tpu.memory_space<vmem>>, %arg4: memref<45x16xf32, #tpu.memory_space<vmem>>, %arg5: memref<1x16xf32, #tpu.memory_space<vmem>>, %arg6: memref<1x16xf32, #tpu.memory_space<vmem>>, %arg7: memref<1x1xf32, #tpu.memory_space<vmem>>, %arg8: memref<2048x1xf32, #tpu.memory_space<vmem>>) attributes {dimension_semantics = [#tpu.dimension_semantics<arbitrary>], iteration_bounds = array<i64: 8>, scalar_prefetch = 0 : i64, scratch_operands = 0 : i64, tpu.core_type = #tpu.core_type<tc>, window_params = [{transform_indices = @transform_0, window_bounds = array<i64: 2048, 13>}, {transform_indices = @transform_1, window_bounds = array<i64: 2048, 16>}, {transform_indices = @transform_2, window_bounds = array<i64: 2048, 16>}, {pipeline_mode = #tpu.pipeline_mode<synchronous>, transform_indices = @transform_3, window_bounds = array<i64: 45, 16>}, {pipeline_mode = #tpu.pipeline_mode<synchronous>, transform_indices = @transform_4, window_bounds = array<i64: 1, 16>}, {pipeline_mode = #tpu.pipeline_mode<synchronous>, transform_indices = @transform_5, window_bounds = array<i64: 1, 16>}, {pipeline_mode = #tpu.pipeline_mode<synchronous>, transform_indices = @transform_6, window_bounds = array<i64: 1, 1>}, {transform_indices = @transform_7, window_bounds = array<i64: 2048, 1>}]} {
    %get3A = arith.constant 0 : index
    %get3A_0 = arith.constant 0 : index
    %get3A_1 = vector.load %arg4[%get3A, %get3A_0] : memref<45x16xf32, #tpu.memory_space<vmem>>, vector<45x16xf32>
    %get3A_2 = arith.constant 0 : index
    %get3A_3 = arith.constant 0 : index
    %get3A_4 = vector.load %arg1[%get3A_2, %get3A_3] : memref<2048x13xf32, #tpu.memory_space<vmem>>, vector<2048x13xf32>
    %slice3A = vector.extract_strided_slice %get3A_1 {offsets = [0, 0], sizes = [13, 16], strides = [1, 1]} : vector<45x16xf32> to vector<13x16xf32>
    %dot_general3A = arith.constant dense<0.000000e+00> : vector<2048x16xf32>
    %dot_general3A_5 = tpu.matmul %get3A_4, %slice3A, %dot_general3A {dimension_numbers = #tpu.dot_dimension_numbers<[1], [0], [0], [1], [0, 0, 1, 1], [], []>, transpose_lhs_hint = false} : vector<2048x13xf32>, vector<13x16xf32>, vector<2048x16xf32> -> vector<2048x16xf32>
    %get3A_6 = arith.constant 0 : index
    %get3A_7 = arith.constant 0 : index
    %get3A_8 = vector.load %arg2[%get3A_6, %get3A_7] : memref<2048x16xf32, #tpu.memory_space<vmem>>, vector<2048x16xf32>
    %slice3A_9 = vector.extract_strided_slice %get3A_1 {offsets = [13, 0], sizes = [16, 16], strides = [1, 1]} : vector<45x16xf32> to vector<16x16xf32>
    %dot_general3A_10 = arith.constant dense<0.000000e+00> : vector<2048x16xf32>
    %dot_general3A_11 = tpu.matmul %get3A_8, %slice3A_9, %dot_general3A_10 {dimension_numbers = #tpu.dot_dimension_numbers<[1], [0], [0], [1], [0, 0, 1, 1], [], []>, transpose_lhs_hint = false} : vector<2048x16xf32>, vector<16x16xf32>, vector<2048x16xf32> -> vector<2048x16xf32>
    %add3A = arith.addf %dot_general3A_5, %dot_general3A_11 : vector<2048x16xf32>
    %get3A_12 = arith.constant 0 : index
    %get3A_13 = arith.constant 0 : index
    %get3A_14 = vector.load %arg3[%get3A_12, %get3A_13] : memref<2048x16xf32, #tpu.memory_space<vmem>>, vector<2048x16xf32>
    %slice3A_15 = vector.extract_strided_slice %get3A_1 {offsets = [29, 0], sizes = [16, 16], strides = [1, 1]} : vector<45x16xf32> to vector<16x16xf32>
    %dot_general3A_16 = arith.constant dense<0.000000e+00> : vector<2048x16xf32>
    %dot_general3A_17 = tpu.matmul %get3A_14, %slice3A_15, %dot_general3A_16 {dimension_numbers = #tpu.dot_dimension_numbers<[1], [0], [0], [1], [0, 0, 1, 1], [], []>, transpose_lhs_hint = false} : vector<2048x16xf32>, vector<16x16xf32>, vector<2048x16xf32> -> vector<2048x16xf32>
    %add3A_18 = arith.addf %add3A, %dot_general3A_17 : vector<2048x16xf32>
    %get3A_19 = arith.constant 0 : index
    %get3A_20 = arith.constant 0 : index
    %get3A_21 = vector.load %arg5[%get3A_19, %get3A_20] : memref<1x16xf32, #tpu.memory_space<vmem>>, vector<1x16xf32>
    %add3A_22 = vector.broadcast %get3A_21 : vector<1x16xf32> to vector<2048x16xf32>
    %add3A_23 = arith.addf %add3A_18, %add3A_22 : vector<2048x16xf32>
    %max3A = arith.constant 0.000000e+00 : f32
    %max3A_24 = vector.broadcast %max3A : f32 to vector<2048x16xf32>
    %max3A_25 = arith.maximumf %add3A_23, %max3A_24 : vector<2048x16xf32>
    %get3A_26 = arith.constant 0 : index
    %get3A_27 = arith.constant 0 : index
    %get3A_28 = vector.load %arg6[%get3A_26, %get3A_27] : memref<1x16xf32, #tpu.memory_space<vmem>>, vector<1x16xf32>
    %mul3A = vector.broadcast %get3A_28 : vector<1x16xf32> to vector<2048x16xf32>
    %mul3A_29 = arith.mulf %max3A_25, %mul3A : vector<2048x16xf32>
    %reduce_sum3A = arith.constant dense<0.000000e+00> : vector<2048xf32>
    %reduce_sum3A_30 = vector.multi_reduction <add>, %mul3A_29, %reduce_sum3A [1] : vector<2048x16xf32> to vector<2048xf32>
    %broadcast_in_dim3A = vector.shape_cast %reduce_sum3A_30 : vector<2048xf32> to vector<2048x1xf32>
    %get3A_31 = arith.constant 0 : index
    %get3A_32 = arith.constant 0 : index
    %get3A_33 = vector.load %arg7[%get3A_31, %get3A_32] : memref<1x1xf32, #tpu.memory_space<vmem>>, vector<1x1xf32>
    %add3A_34 = vector.broadcast %get3A_33 : vector<1x1xf32> to vector<2048x1xf32>
    %add3A_35 = arith.addf %broadcast_in_dim3A, %add3A_34 : vector<2048x1xf32>
    %swap3A = arith.constant 0 : index
    %swap3A_36 = arith.constant 0 : index
    %swap3A_37 = vector.load %arg8[%swap3A, %swap3A_36] : memref<2048x1xf32, #tpu.memory_space<vmem>>, vector<2048x1xf32>
    tpu.vector_store %arg8[%swap3A, %swap3A_36], %add3A_35 {strides = array<i32>} : memref<2048x1xf32, #tpu.memory_space<vmem>>, vector<2048x1xf32>,
    return
  }
  func.func @transform_0(%arg0: i32) -> (i32, i32) {
    %c0_i32 = arith.constant 0 : i32
    %c0_i32_0 = arith.constant 0 : i32
    return %arg0, %c0_i32 : i32, i32
  }
  func.func @transform_1(%arg0: i32) -> (i32, i32) {
    %c0_i32 = arith.constant 0 : i32
    %c0_i32_0 = arith.constant 0 : i32
    return %arg0, %c0_i32 : i32, i32
  }
  func.func @transform_2(%arg0: i32) -> (i32, i32) {
    %c0_i32 = arith.constant 0 : i32
    %c0_i32_0 = arith.constant 0 : i32
    return %arg0, %c0_i32 : i32, i32
  }
  func.func @transform_3(%arg0: i32) -> (i32, i32) {
    %c0_i32 = arith.constant 0 : i32
    %c0_i32_0 = arith.constant 0 : i32
    %c0_i32_1 = arith.constant 0 : i32
    return %c0_i32, %c0_i32_0 : i32, i32
  }
  func.func @transform_4(%arg0: i32) -> (i32, i32) {
    %c0_i32 = arith.constant 0 : i32
    %c0_i32_0 = arith.constant 0 : i32
    %c0_i32_1 = arith.constant 0 : i32
    return %c0_i32, %c0_i32_0 : i32, i32
  }
  func.func @transform_5(%arg0: i32) -> (i32, i32) {
    %c0_i32 = arith.constant 0 : i32
    %c0_i32_0 = arith.constant 0 : i32
    %c0_i32_1 = arith.constant 0 : i32
    return %c0_i32, %c0_i32_0 : i32, i32
  }
  func.func @transform_6(%arg0: i32) -> (i32, i32) {
    %c0_i32 = arith.constant 0 : i32
    %c0_i32_0 = arith.constant 0 : i32
    %c0_i32_1 = arith.constant 0 : i32
    return %c0_i32, %c0_i32_0 : i32, i32
  }
  func.func @transform_7(%arg0: i32) -> (i32, i32) {
    %c0_i32 = arith.constant 0 : i32
    %c0_i32_0 = arith.constant 0 : i32
    return %arg0, %c0_i32 : i32, i32
  }
}

</mosaic_0001>

<sc_bundles>
// kernel: kernel.4.cloned.1.call-start
scs
__scs_entry_jumppad:
0x0: {  	(pc) =	sbr.rel $0x88, $3  }
0x1: {  	(tag) =	ssettag $0x0;
	lr =	simm.s32 $0x1  }
0x2: {  	[smem:$0x3F98] =	sst lr;
	_ =	strace $0xD0000000  }
0x3: {  	_ = 	snop  }
0x4: {  	_ = 	snop  }
0x5: {  	_ = 	snop  }
0x6: {  	_ = 	snop  }
0x7: {  	_ = 	snop  }
__scs_overlays_trampoline_lowered:
0x8: {  	[smem:$0x3FA7] =	sst s0  }
0x9: {  	[smem:$0x3FA8] =	sst s1  }
0xa: {  	[smem:$0x3FA9] =	sst s2  }
0xb: {  	[smem:$0x3FAA] =	sst s3  }
0xc: {  	[smem:$0x3FAB] =	sst s4  }
0xd: {  	[smem:$0x3FAC] =	sst s5  }
0xe: {  	[smem:$0x3FAD] =	sst s6  }
0xf: {  	[smem:$0x3FAE] =	sst s7  }
0x10: {  	[smem:$0x3FAF] =	sst s8  }
0x11: {  	[smem:$0x3FB0] =	sst s9;
	s0 =	simm.s32 @!p0 $0x0  }
0x12: {  	s1 =	sld [smem:$0x3F96];
	s0 =	simm.s32 @p0 $0x1  }
0x13: {  	[smem:$0x3FB1] =	sst s0;
	s0 =	simm.s32 @!p1 $0x0  }
0x14: {  	s2 =	sld [smem:$0x3F95];
	s0 =	simm.s32 @p1 $0x1  }
0x15: {  	[smem:$0x3FB2] =	sst s0;
	s0 =	simm.s32 @!p2 $0x0  }
0x16: {  	s3 =	sld [smem:$0x3FDB];
	s0 =	simm.s32 @p2 $0x1  }
0x17: {  	s4 =	simm.s32 $0x1BF5;
	[smem:$0x3FB4] =	sst s0  }
0x18: {  	s0 =	sld [smem:$0x3F97];
	_ =	swait.ge [sflag:s4], $0x0  }
0x19: {  	s7 =	sld [smem:$0x3F98]  }
0x1a: {  	s8 =	sadd.s32 $0xFFFFE003, lr  }
0x1b: {  	s9 =	sadd.s32 $0xFFFFFEF7, lr;
	s5 =	simm.s32 $0xFFFFFFFF;
	p2 =	slt.u32 s8, $0xFFFFF086  }
0x1c: {  	p1 =	slt.u32 s9, $0xF7A;
	s5 =	simm.s32 @!p2 $0x0  }
0x1d: {  	s5 =	simm.s32 @p1 $0x1;
	p0 =	seq.s32 s7, s2  }
0x1e: {  	s7 =	smul.u32 @!p0 $0xF7A, s2;
	p2 =	seq.s32 @!p0 s5, $0x0  }
0x1f: {  	s9 =	smul.u32 $0xF7A, s1;
	s8 =	simm.s32 @!p0 $0x1BF5;
	p2 =	por !p2, p0  }
0x20: {  	[sflag:s8] =	ssyncset.s32 @!p0 $0xFFFFF086;
	s6 =	sadd.s32 @!p0 s3, s7;
	s7 =	simm.s32 @!p0 $0x108  }
0x21: {  	s3 =	sadd.s32 s3, s9;
	s6 =	sadd.s32 @!p0 $0x88, s6;
	s7 =	simm.s32 @p2 $0x1082  }
0x22: {  	[simem:s7], [sflag:s8] =	dma.local @!p0 [hbm:s6], $0xF7A  }
0x23: {  	s9 =	sor.u32 $0xD0000000, s2;
	s6 =	simm.s32 $0x108;
	_ =	swait.ge @!p0 [sflag:s8], $0x0  }
0x24: {  	s3 =	sadd.s32 $0x88, s3;
	s6 =	simm.s32 @!p1 $0x1082;
	[sflag:s4] =	ssyncset.s32 $0xFFFFF086  }
0x25: {  	[simem:s6], [sflag:s4] =	dma.local [hbm:s3], $0xF7A  }
0x26: {  	[smem:$0x3F98] =	sst s1;
	(tag) =	ssettag s2;
	_ =	strace s9  }
0x27: {  	s1 =	sld [smem:$0x3FA8]  }
0x28: {  	s2 =	sld [smem:$0x3FA9]  }
0x29: {  	s4 =	sld [smem:$0x3FAB]  }
0x2a: {  	p0 =	seq.s32 s5, $0x0;
	s5 =	sld [smem:$0x3FAC]  }
0x2b: {  	s6 =	sld [smem:$0x3FAD]  }
0x2c: {  	s7 =	sld [smem:$0x3FAE]  }
0x2d: {  	s3 =	simm.s32 $0x108;
	s8 =	sld [smem:$0x3FAF]  }
0x2e: {  	s3 =	simm.s32 @!p0 $0x1082;
	s9 =	sld [smem:$0x3FB0]  }
0x2f: {  	lr =	sadd.s32 s0, s3;
	s0 =	sld [smem:$0x3FA7]  }
0x30: {  	s3 =	sld [smem:$0x3FAA]  }
0x31: {  	[smem:$0x3FB3] =	sst s10  }
0x32: {  	s10 =	sld [smem:$0x3FB1];
	_ =	sdelay $0x3  }
0x33: {  	p0 =	seq.s32 s10, $0x1;
	s10 =	sld [smem:$0x3FB3];
	_ =	sdelay $0x3  }
0x34: {  	[smem:$0x3FB3] =	sst s10  }
0x35: {  	s10 =	sld [smem:$0x3FB2];
	_ =	sdelay $0x3  }
0x36: {  	p1 =	seq.s32 s10, $0x1;
	s10 =	sld [smem:$0x3FB3];
	_ =	sdelay $0x3  }
0x37: {  	[smem:$0x3FB3] =	sst s10  }
0x38: {  	s10 =	sld [smem:$0x3FB4]  }
0x39: {  	_ = 	snop;
	(pc) =	sbr.ind lr, $3  }
0x3a: {  	_ = 	snop  }
0x3b: {  	_ = 	snop  }
0x3c: {  	p2 =	seq.s32 s10, $0x1;
	s10 =	sld [smem:$0x3FB3]  }
0x3d: {  	_ =	shalt  }
0x3e: {  	_ =	shalt  }
0x3f: {  	_ =	shalt  }
0x40: {  	_ =	shalt  }
0x41: {  	_ =	shalt  }
0x42: {  	_ =	shalt  }
0x43: {  	_ =	shalt  }
0x44: {  	_ =	shalt  }
0x45: {  	_ =	shalt  }
0x46: {  	_ =	shalt  }
0x47: {  	_ =	shalt  }
0x48: {  	_ =	shalt  }
0x49: {  	_ =	shalt  }
0x4a: {  	_ =	shalt  }
0x4b: {  	_ =	shalt  }
0x4c: {  	_ =	shalt  }
0x4d: {  	_ =	shalt  }
0x4e: {  	_ =	shalt  }
0x4f: {  	_ =	shalt  }
0x50: {  	_ =	shalt  }
0x51: {  	_ =	shalt  }
0x52: {  	_ =	shalt  }
0x53: {  	_ =	shalt  }
0x54: {  	_ =	shalt  }
0x55: {  	_ =	shalt  }
0x56: {  	_ =	shalt  }
0x57: {  	_ =	shalt  }
0x58: {  	_ =	shalt  }
0x59: {  	_ =	shalt  }
0x5a: {  	_ =	shalt  }
0x5b: {  	_ =	shalt  }
0x5c: {  	_ =	shalt  }
0x5d: {  	_ =	shalt  }
0x5e: {  	_ =	shalt  }
0x5f: {  	_ =	shalt  }
0x60: {  	_ =	shalt  }
0x61: {  	_ =	shalt  }
0x62: {  	_ =	shalt  }
0x63: {  	_ =	shalt  }
0x64: {  	_ =	shalt  }
0x65: {  	_ =	shalt  }
0x66: {  	_ =	shalt  }
0x67: {  	_ =	shalt  }
0x68: {  	_ =	shalt  }
0x69: {  	_ =	shalt  }
0x6a: {  	_ =	shalt  }
0x6b: {  	_ =	shalt  }
0x6c: {  	_ =	shalt  }
0x6d: {  	_ =	shalt  }
0x6e: {  	_ =	shalt  }
0x6f: {  	_ =	shalt  }
0x70: {  	_ =	shalt  }
0x71: {  	_ =	shalt  }
0x72: {  	_ =	shalt  }
0x73: {  	_ =	shalt  }
0x74: {  	_ =	shalt  }
0x75: {  	_ =	shalt  }
0x76: {  	_ =	shalt  }
0x77: {  	_ =	shalt  }
0x78: {  	_ =	shalt  }
0x79: {  	_ =	shalt  }
0x7a: {  	_ =	shalt  }
0x7b: {  	_ =	shalt  }
0x7c: {  	_ =	shalt  }
0x7d: {  	_ =	shalt  }
0x7e: {  	_ =	shalt  }
0x7f: {  	_ =	shalt  }
0x80: {  	_ =	shalt  }
0x81: {  	_ =	shalt  }
0x82: {  	_ =	shalt  }
0x83: {  	_ =	shalt  }
0x84: {  	_ =	shalt  }
0x85: {  	_ =	shalt  }
0x86: {  	_ =	shalt  }
0x87: {  	_ =	shalt  }
.Lfunc_end0:
.L_simem_size_0:
called_computation_lowered:
.L_overlay_start_0:
0x88: {  	s2 =	sld [smem:$0x3FD9]  }
0x89: {  	s3 =	sld [smem:$0x3FFE];
	_ =	sdelay $0x1  }
0x8a: {  	s1 =	srdreg.scid  }
0x8b: {  	s0 =	sand.u32 $0x1, s1  }
0x8c: {  	s17 =	sshll.u32 s0, $0xA;
	s2 =	sadd.s32 s3, s2  }
0x8d: {  	s2 =	sadd.s32 s2, s17  }
0x8e: {  	[smem:$0x3FBF] =	sst s2  }
0x8f: {  	_ = 	snop  }
0x90: {  	s2 =	sld [smem:$0x3FC8]  }
0x91: {  	s18 =	sld [smem:$0x3FC7]  }
0x92: {  	s4 =	sld [smem:$0x3FD0];
	(tm) =	ssettm $0x1  }
0x93: {  	s5 =	sld [smem:$0x3FFB];
	_ =	sdelay $0x3  }
0x94: {  	_ =	strace s5  }
0x95: {  	s5 =	sld [smem:$0x3FFC];
	_ =	sdelay $0x3  }
0x96: {  	_ =	strace s5  }
0x97: {  	s5 =	sld [smem:$0x3FFD];
	_ =	sdelay $0x3  }
0x98: {  	_ =	strace s5  }
0x99: {  	_ =	strace $0x8FFFFFFF  }
0x9a: {  	s19 =	sld [smem:$0x3FDB];
	_ =	sdelay $0x1  }
0x9b: {  	s6 =	simm.s32 $_scs_section_size  }
0x9c: {  	s7 =	simm.s32 $_size__tile_overlayer_lowered;
	s8 =	simm.s32 $_tile_overlayer_lowered  }
0x9d: {  	s22 =	simm.s32 $0x1BFF;
	s21 =	sshll.u32 s8, $0x1;
	s5 =	sadd.s32 s6, s19  }
0x9e: {  	s9 =	simm.s32 $0x0;
	s20 =	sshll.u32 s7, $0x1;
	s7 =	sadd.s32 s21, s5  }
0x9f: {  	[timem:s9], [sflag:s22] =	dma.local [hbm:s7], s20  }
0xa0: {  	_ =	swait.ge [sflag:s22], s20  }
0xa1: {  	s6 =	ssub.s32 $0x0, s20;
	[sflag:s22] =	ssyncset.done $0x0  }
0xa2: {  	[sflag:s22] =	ssyncadd.s32 s6;
	_ =	sdelay $0x1  }
0xa3: {  	s23 =	simm.s32 $0x1B8B  }
0xa4: {  	_ =	swait.ge [sflag:s23], $0x1  }
0xa5: {  	[sflag:s23] =	ssyncset.done $0x0  }
0xa6: {  	s25 =	simm.s32 $0x1B8E;
	s24 =	sld [smem:$0x3FFE];
	[sflag:s23] =	ssyncadd.s32 $0xFFFFFFFF  }
0xa7: {  	s26 =	simm.s32 $execute0_lowered;
	[smem:$0x3FD2] =	sst s25  }
0xa8: {  	s7 =	sshll.u32 s26, $0x1;
	_ =	strace $0x80000046;
	[dreg:$0x1] =	wrdreg $0xFFFFFFFF  }
0xa9: {  	s28 =	simm.s32 $_size_execute0_lowered;
	s5 =	sadd.s32 s5, s7;
	[dreg:$0x0] =	wrdreg $0x0  }
0xaa: {  	s7 =	sshll.u32 s28, $0x1;
	[dreg:$0x2] =	wrdreg s5  }
0xab: {  	[dreg:$0x3] =	wrdreg s7  }
0xac: {  	[dreg:$0x4] =	wrdreg $0xC0  }
0xad: {  	_ =	task [dreg:s9], $0x5FFFF  }
0xae: {  	[dreg:$0x1] =	wrdreg $0xFFFFFFFF  }
0xaf: {  	[dreg:$0x0] =	wrdreg $0x60  }
0xb0: {  	[dreg:$0x2] =	wrdreg s4  }
0xb1: {  	[dreg:$0x3] =	wrdreg s24  }
0xb2: {  	[dreg:$0x4] =	wrdreg s2  }
0xb3: {  	[dreg:$0x5] =	wrdreg s18  }
0xb4: {  	[dreg:$0x6] =	wrdreg $0x9  }
0xb5: {  	_ =	task.clear_ibuf [dreg:s9], $0x7FFFF;
	_ =	strace $0x90000046  }
0xb6: {  	s29 =	simm.s32 $0x9;
	_ =	strace $0x80000048  }
0xb7: {  	_ =	swait.ge [sflag:s29], $0x1  }
0xb8: {  	[sflag:s29] =	ssyncadd.s32 $0xFFFFFFFF  }
0xb9: {  	_ =	strace $0x90000048  }
0xba: {  	_ =	sfence  }
0xbb: {  	s30 =	sld [smem:$0x0];
	_ =	sdelay $0x2  }
0xbc: {  	s31 =	sshll.u32 s1, $0xD;
	s1 =	sshrl.u32 s1, $0x2  }
0xbd: {  	s3 =	sand.u32 $0x4000, s31;
	s1 =	sadd.s32 s1, s30  }
0xbe: {  	s0 =	sor.u32 s3, s0;
	s1 =	sshll.u32 s1, $0x11  }
0xbf: {  	s0 =	sor.u32 s1, s0  }
0xc0: {  	s0 =	sadd.s32 $0x8F2B, s0  }
0xc1: {  	[sflag:s0] =	ssyncadd.remote.s32 $0x1  }
0xc2: {  	_ =	sfence.sel $0xFFFF  }
0xc3: {  	[dreg:$0x0] =	wrdreg $0xFFFFFFFF;
	(pc) =	sbr.abs _section_cstart, $3  }
0xc4: {  	[dreg:$0x1] =	wrdreg $0xFFFFFFFF  }
0xc5: {  	_ =	task.clear_ibuf [dreg:s9], $0x2FFFF;
	_ =	strace $0x9FFFFFFF  }
0xc6: {  	(tm) =	ssettm $0x7FFFFFFF  }
0xc7: {  	_ =	shalt  }
tec
execute0_lowered:
.L_overlay_start_1:
0x0: {  	(tag) =	ssettag $0x1  }
0x1: {  	s1 =	rddreg [dreg:$0x0];
	s2 =	srdreg.scid  }
0x2: {  	s24 =	rddreg [dreg:$0x1];
	s0 =	stileid.u32;
	s25 =	sand.u32 $0x1, s2  }
0x3: {  	s4 =	rddreg [dreg:$0x2];
	s6 =	sshll.u32 s0, $0xA;
	s7 =	sshll.u32 s25, $0x9  }
0x4: {  	s5 =	rddreg [dreg:$0x3];
	s3 =	simm.s32 $0x0;
	s26 =	sor.u32 s7, s6  }
0x5: {  	[smem:$0x7FF] =	sst s3;
	s6 =	sshrl.u32 s26, $0x3  }
0x6: {  	s2 =	rddreg [dreg:$0x4];
	_ =	strace $0x80000047;
	s4 =	sadd.s32 s4, s6  }
0x7: {  	[tilespmem:s3], [sflag:$0x1] =	stream.linear.gather [hbm4b:s4+s3], $0x200, $0x38;
	[tilespmem:$0x4400] =	vst v63  }
0x8: {  	s7 =	simm.s32 $0x1;
	s5 =	sadd.s32 s5, s6;
	s6 =	simm.s32 $0x200  }
0x9: {  	[tilespmem:s6], [sflag:$0x2] =	stream.linear.gather [hbm4b:s5+s3], $0x200, $0x38;
	[tilespmem:$0x4400] =	vst v63  }
0xa: {  	_ =	swait.ge [sflag:s7], $0x200  }
0xb: {  	[sflag:s7] =	ssyncset.done $0x0  }
0xc: {  	s8 =	simm.s32 $0x2;
	[sflag:s7] =	ssyncadd.s32 $0xFFFFFE00  }
0xd: {  	_ =	swait.ge [sflag:s8], $0x200  }
0xe: {  	[sflag:s8] =	ssyncset.done $0x0  }
0xf: {  	s9 =	simm.s32 $0x80;
	s10 =	simm.s32 $0x400;
	[sflag:s8] =	ssyncadd.s32 $0xFFFFFE00  }
0x10: {  	[tilespmem:s10], [sflag:$0x1] =	stream.indirect.gather [hbm4b:s1+s9], $0x10, s3, s9, $0xb8;
	[tilespmem:$0x4400] =	vst v63  }
0x11: {  	s12 =	simm.s32 $0x2400;
	s11 =	sadd.s32 $0xE00, s24  }
0x12: {  	[tilespmem:s12], [sflag:$0x2] =	stream.indirect.gather [hbm4b:s11+s9], $0x10, s6, s9, $0xb8;
	[tilespmem:$0x4400] =	vst v63  }
0x13: {  	s13 =	simm.s32 $0xC00  }
0x14: {  	[tilespmem:s13], [sflag:$0x1] =	stream.indirect.gather [hbm4b:s1+s9], $0x10, s9, s9, $0xb8;
	[tilespmem:$0x4400] =	vst v63  }
0x15: {  	s14 =	simm.s32 $0x280;
	s15 =	simm.s32 $0x2C00  }
0x16: {  	[tilespmem:s15], [sflag:$0x2] =	stream.indirect.gather [hbm4b:s11+s9], $0x10, s14, s9, $0xb8;
	[tilespmem:$0x4400] =	vst v63  }
0x17: {  	s16 =	simm.s32 $0x100;
	s17 =	simm.s32 $0x1400  }
0x18: {  	[tilespmem:s17], [sflag:$0x1] =	stream.indirect.gather [hbm4b:s1+s9], $0x10, s16, s9, $0xb8;
	[tilespmem:$0x4400] =	vst v63  }
0x19: {  	s18 =	simm.s32 $0x300;
	s19 =	simm.s32 $0x3400  }
0x1a: {  	[tilespmem:s19], [sflag:$0x2] =	stream.indirect.gather [hbm4b:s11+s9], $0x10, s18, s9, $0xb8;
	[tilespmem:$0x4400] =	vst v63  }
0x1b: {  	s20 =	simm.s32 $0x180;
	s21 =	simm.s32 $0x1C00  }
0x1c: {  	[tilespmem:s21], [sflag:$0x1] =	stream.indirect.gather [hbm4b:s1+s9], $0x10, s20, s9, $0xb8;
	[tilespmem:$0x4400] =	vst v63  }
0x1d: {  	s22 =	simm.s32 $0x380;
	s23 =	simm.s32 $0x3C00  }
0x1e: {  	[tilespmem:s23], [sflag:$0x2] =	stream.indirect.gather [hbm4b:s11+s9], $0x10, s22, s9, $0xb8;
	[tilespmem:$0x4400] =	vst v63  }
0x1f: {  	_ =	swait.ge [sflag:s7], $0x800  }
0x20: {  	[sflag:s7] =	ssyncset.done $0x0  }
0x21: {  	[sflag:s7] =	ssyncadd.s32 $0xFFFFF800  }
0x22: {  	_ =	swait.ge [sflag:s8], $0x800  }
0x23: {  	[sflag:s8] =	ssyncset.done $0x0  }
0x24: {  	[sflag:s8] =	ssyncadd.s32 $0xFFFFF800  }
0x25: {  	_ =	swait.ge [sflag:s7], $0x800  }
0x26: {  	[sflag:s7] =	ssyncset.done $0x0  }
0x27: {  	[sflag:s7] =	ssyncadd.s32 $0xFFFFF800  }
0x28: {  	_ =	swait.ge [sflag:s8], $0x800  }
0x29: {  	[sflag:s8] =	ssyncset.done $0x0  }
0x2a: {  	[sflag:s8] =	ssyncadd.s32 $0xFFFFF800  }
0x2b: {  	_ =	swait.ge [sflag:s7], $0x800  }
0x2c: {  	[sflag:s7] =	ssyncset.done $0x0  }
0x2d: {  	[sflag:s7] =	ssyncadd.s32 $0xFFFFF800  }
0x2e: {  	_ =	swait.ge [sflag:s8], $0x800  }
0x2f: {  	[sflag:s8] =	ssyncset.done $0x0  }
0x30: {  	[sflag:s8] =	ssyncadd.s32 $0xFFFFF800  }
0x31: {  	_ =	swait.ge [sflag:s7], $0x800  }
0x32: {  	s26 =	sshll.u32 s26, $0x1;
	[sflag:s7] =	ssyncset.done $0x0  }
0x33: {  	s28 =	ssub.s32 $0x2, s25;
	s26 =	sadd.s32 s26, s24;
	[sflag:s7] =	ssyncadd.s32 $0xFFFFF800  }
0x34: {  	s31 =	sshrl.u32 s28, $0x1;
	s24 =	sadd.s32 $0x9600, s26;
	_ =	swait.ge [sflag:s8], $0x800  }
0x35: {  	s25 =	sadd.s32 $0x1600, s26;
	s26 =	ssub.s32 s28, s31;
	[sflag:s8] =	ssyncset.done $0x0  }
0x36: {  	s26 =	smax.u32 s26, $0x1;
	[sflag:s8] =	ssyncadd.s32 $0xFFFFF800  }
0x37: {  	[hbm4b:s24+s3] =	stream.linear.scatter [tilespmem:s10], [sflag:$0x1], $0x2000, $0x38;
	[tilespmem:$0x4400] =	vst v63  }
0x38: {  	p0 =	sne.s32 s26, $0x1  }
0x39: {  	[hbm4b:s25+s3] =	stream.linear.scatter [tilespmem:s12], [sflag:$0x2], $0x2000, $0x38;
	[tilespmem:$0x4400] =	vst v63  }
.Ltmp0:
0x3a: {  	_ =	swait.ge [sflag:s7], $0x2000;
	(pc) =	sbr.rel @!p0 .LBB2_2-.Ltmp0, $4  }
0x3b: {  	[sflag:s7] =	ssyncset.done $0x0  }
0x3c: {  	[sflag:s7] =	ssyncadd.s32 $0xFFFFE000  }
0x3d: {  	_ =	swait.ge [sflag:s8], $0x2000  }
0x3e: {  	s26 =	sadd.s32 $0xFFFFFFFF, s26;
	[sflag:s8] =	ssyncset.done $0x0  }
.LBB2_1:
0x3f: {  	p0 =	sne.s32 s26, $0x1;
	s26 =	sadd.s32 $0xFFFFFFFF, s26;
	[sflag:s8] =	ssyncadd.s32 $0xFFFFE000  }
0x40: {  	[tilespmem:s3], [sflag:$0x1] =	stream.linear.gather [hbm4b:s4+s3], $0x200, $0x38;
	[tilespmem:$0x4400] =	vst v63  }
0x41: {  	_ = 	snop  }
0x42: {  	[tilespmem:s6], [sflag:$0x2] =	stream.linear.gather [hbm4b:s5+s3], $0x200, $0x38;
	[tilespmem:$0x4400] =	vst v63  }
0x43: {  	_ =	swait.ge [sflag:s7], $0x200  }
0x44: {  	[sflag:s7] =	ssyncset.done $0x0  }
0x45: {  	[sflag:s7] =	ssyncadd.s32 $0xFFFFFE00  }
0x46: {  	_ =	swait.ge [sflag:s8], $0x200  }
0x47: {  	[sflag:s8] =	ssyncset.done $0x0  }
0x48: {  	[sflag:s8] =	ssyncadd.s32 $0xFFFFFE00  }
0x49: {  	[tilespmem:s10], [sflag:$0x1] =	stream.indirect.gather [hbm4b:s1+s9], $0x10, s3, s9, $0xb8;
	[tilespmem:$0x4400] =	vst v63  }
0x4a: {  	_ = 	snop  }
0x4b: {  	[tilespmem:s12], [sflag:$0x2] =	stream.indirect.gather [hbm4b:s11+s9], $0x10, s6, s9, $0xb8;
	[tilespmem:$0x4400] =	vst v63  }
0x4c: {  	_ = 	snop  }
0x4d: {  	[tilespmem:s13], [sflag:$0x1] =	stream.indirect.gather [hbm4b:s1+s9], $0x10, s9, s9, $0xb8;
	[tilespmem:$0x4400] =	vst v63  }
0x4e: {  	_ = 	snop  }
0x4f: {  	[tilespmem:s15], [sflag:$0x2] =	stream.indirect.gather [hbm4b:s11+s9], $0x10, s14, s9, $0xb8;
	[tilespmem:$0x4400] =	vst v63  }
0x50: {  	_ = 	snop  }
0x51: {  	[tilespmem:s17], [sflag:$0x1] =	stream.indirect.gather [hbm4b:s1+s9], $0x10, s16, s9, $0xb8;
	[tilespmem:$0x4400] =	vst v63  }
0x52: {  	_ = 	snop  }
0x53: {  	[tilespmem:s19], [sflag:$0x2] =	stream.indirect.gather [hbm4b:s11+s9], $0x10, s18, s9, $0xb8;
	[tilespmem:$0x4400] =	vst v63  }
0x54: {  	_ = 	snop  }
0x55: {  	[tilespmem:s21], [sflag:$0x1] =	stream.indirect.gather [hbm4b:s1+s9], $0x10, s20, s9, $0xb8;
	[tilespmem:$0x4400] =	vst v63  }
0x56: {  	_ = 	snop  }
0x57: {  	[tilespmem:s23], [sflag:$0x2] =	stream.indirect.gather [hbm4b:s11+s9], $0x10, s22, s9, $0xb8;
	[tilespmem:$0x4400] =	vst v63  }
0x58: {  	_ =	swait.ge [sflag:s7], $0x800  }
0x59: {  	[sflag:s7] =	ssyncset.done $0x0  }
0x5a: {  	[sflag:s7] =	ssyncadd.s32 $0xFFFFF800  }
0x5b: {  	_ =	swait.ge [sflag:s8], $0x800  }
0x5c: {  	[sflag:s8] =	ssyncset.done $0x0  }
0x5d: {  	[sflag:s8] =	ssyncadd.s32 $0xFFFFF800  }
0x5e: {  	_ =	swait.ge [sflag:s7], $0x800  }
0x5f: {  	[sflag:s7] =	ssyncset.done $0x0  }
0x60: {  	[sflag:s7] =	ssyncadd.s32 $0xFFFFF800  }
0x61: {  	_ =	swait.ge [sflag:s8], $0x800  }
0x62: {  	[sflag:s8] =	ssyncset.done $0x0  }
0x63: {  	[sflag:s8] =	ssyncadd.s32 $0xFFFFF800  }
0x64: {  	_ =	swait.ge [sflag:s7], $0x800  }
0x65: {  	[sflag:s7] =	ssyncset.done $0x0  }
0x66: {  	[sflag:s7] =	ssyncadd.s32 $0xFFFFF800  }
0x67: {  	_ =	swait.ge [sflag:s8], $0x800  }
0x68: {  	[sflag:s8] =	ssyncset.done $0x0  }
0x69: {  	[sflag:s8] =	ssyncadd.s32 $0xFFFFF800  }
0x6a: {  	_ =	swait.ge [sflag:s7], $0x800  }
0x6b: {  	[sflag:s7] =	ssyncset.done $0x0  }
0x6c: {  	[sflag:s7] =	ssyncadd.s32 $0xFFFFF800  }
0x6d: {  	_ =	swait.ge [sflag:s8], $0x800  }
0x6e: {  	[sflag:s8] =	ssyncset.done $0x0  }
0x6f: {  	[sflag:s8] =	ssyncadd.s32 $0xFFFFF800  }
0x70: {  	[hbm4b:s24+s3] =	stream.linear.scatter [tilespmem:s10], [sflag:$0x1], $0x2000, $0x38;
	[tilespmem:$0x4400] =	vst v63  }
0x71: {  	_ = 	snop  }
0x72: {  	[hbm4b:s25+s3] =	stream.linear.scatter [tilespmem:s12], [sflag:$0x2], $0x2000, $0x38;
	[tilespmem:$0x4400] =	vst v63  }
.Ltmp1:
0x73: {  	_ =	swait.ge [sflag:s7], $0x2000;
	(pc) =	sbr.rel @p0 .LBB2_1-.Ltmp1, $4  }
0x74: {  	[sflag:s7] =	ssyncset.done $0x0  }
0x75: {  	[sflag:s7] =	ssyncadd.s32 $0xFFFFE000  }
0x76: {  	_ =	swait.ge [sflag:s8], $0x2000  }
0x77: {  	[sflag:s8] =	ssyncset.done $0x0  }
.LBB2_2:
0x78: {  	[sflag:s8] =	ssyncadd.s32 $0xFFFFE000  }
0x79: {  	_ =	sfence.sel $0x180000  }
0x7a: {  	[bflag:$0x0] =	sbarrier.arrive $0xFFFF  }
0x7b: {  	p0 =	sne.s32 s0, $0x0;
	_ =	strace $0x90000047  }
0x7c: {  	s0 =	sadd.s32 @!p0 $0x100000, s2;
	[bflag:$0x2] =	sbarrier.arrive $0xFFFF  }
0x7d: {  	[sflag:s0] =	ssyncadd.tile.s32 @!p0 $0x1;
	_ =	shalt  }
.Lfunc_end2:
_tile_overlayer_lowered:
.L_overlay_start_2:
0x7e: {  	(tag) =	ssettag $0x2  }
0x7f: {  	s0 =	rddreg [dreg:$0x0];
	s2 =	stileid.u32  }
0x80: {  	s1 =	rddreg [dreg:$0x1];
	p0 =	sne.s32 s2, $0x0  }
0x81: {  	s3 =	rddreg [dreg:$0x2];
	[bflag:$0x3] =	sbarrier.arrive $0xFFFF;
	s2 =	simm.s32 @!p0 $0x1C03  }
0x82: {  	[timem:s3], [sflag:s2] =	dma.local @!p0 [hbm:s0], s1  }
0x83: {  	s0 =	simm.s32 @!p0 $0x3  }
0x84: {  	_ =	swait.ge @!p0 [sflag:s0], s1  }
0x85: {  	s1 =	ssub.s32 @!p0 $0x0, s1;
	[sflag:s0] =	ssyncset.done @!p0 $0x0  }
0x86: {  	[sflag:s0] =	ssyncadd.s32 @!p0 s1  }
0x87: {  	[bflag:$0x3] =	sbarrier.arrive $0xFFFF  }
0x88: {  	_ =	shalt  }

</sc_bundles>
